<compile_context>
chip_gen: v7x
topology: tpu7x:2x2x1
jax: 0.10.2.dev20260603
libtpu: 0.0.44.dev20260713+nightly
codegen_flags: <defaults>
</compile_context>

<pallas_src>
import functools

import jax
import jax.numpy as jnp
from jax import lax
from jax.experimental import pallas as pl
from jax.experimental.pallas import tpu as pltpu
from jax.experimental.pallas import tpu_sc as plsc

L = 1024
DP = 64
NCORES = 2
NSUB = 16
NW = NCORES * NSUB
ROWS_PER_W = L // NW
CHUNK = 128
NCH = L // CHUNK
A_PER_SUB = 5
TAB_ROWS = 16 * A_PER_SUB * 10


def _pe2d_body(seq_hbm, idx_hbm, dist_hbm, wres_hbm, wat_hbm,
               out_hbm, tab_hbm,
               seq_v, idx_v, wres_v, wat_v, row_v, dist_v, cidx_v, rows_v,
               sem_g, sem_o):
    cid = lax.axis_index("c")
    sid = lax.axis_index("s")
    wid = cid * NSUB + sid

    pltpu.sync_copy(seq_hbm, seq_v.at[pl.ds(0, L)])
    pltpu.sync_copy(idx_hbm, idx_v.at[pl.ds(0, L)])
    pltpu.sync_copy(wres_hbm, wres_v)
    pltpu.sync_copy(wat_hbm, wat_v)

    def _mask_body(j, _):
        s = seq_v[pl.ds(j * 16, 16)]
        seq_v[pl.ds(j * 16, 16)] = jnp.where(s >= 32, 1, 0).astype(jnp.int32)
        return 0
    lax.fori_loop(0, L // 16, _mask_body, 0)

    def _tab_a(aloc, _):
        a = sid * A_PER_SUB + aloc
        ac = jnp.minimum(a, 65)

        def _tab_b(b, _):
            for q in range(DP // 16):
                av = wres_v[pl.ds(ac * DP + q * 16, 16)]
                bv = wat_v[pl.ds(b * DP + q * 16, 16)]
                row_v[pl.ds(q * 16, 16)] = av + bv
            pltpu.sync_copy(row_v, tab_hbm.at[cid * TAB_ROWS + a * 10 + b])
            return 0
        lax.fori_loop(0, 10, _tab_b, 0)
        return 0
    lax.fori_loop(0, A_PER_SUB, _tab_a, 0)
    plsc.subcore_barrier()

    tbase = cid * TAB_ROWS

    def _row(iloc, _):
        i = wid * ROWS_PER_W + iloc
        pltpu.sync_copy(dist_hbm.at[i], dist_v)
        idxi = jnp.full((16,), idx_v[pl.ds(i, 16)][0], jnp.int32)
        smi = jnp.full((16,), seq_v[pl.ds(i, 16)][0], jnp.int32)

        def _chunk(k, _):
            def _cidx(j2, _):
                off = k * CHUNK + j2 * 16
                idxj = idx_v[pl.ds(off, 16)]
                smj = seq_v[pl.ds(off, 16)]
                dv = dist_v[pl.ds(off, 16)]
                rd = jnp.clip(idxj - idxi, -32, 33)
                ib_res = jnp.where(smi + smj > 0, 33, rd) + 32
                ad = jnp.minimum(jnp.maximum(dv, 0.0), 9.0)
                ad = jnp.where(smi + smj == 2, ad, 9.0)
                t = ad.astype(jnp.int32)
                ib_atom = t + jnp.where(t.astype(jnp.float32) < ad, 1, 0)
                cidx_v[pl.ds(j2 * 16, 16)] = tbase + ib_res * 10 + ib_atom
                return 0
            lax.fori_loop(0, CHUNK // 16, _cidx, 0)
            pltpu.async_copy(tab_hbm.at[cidx_v], rows_v, sem_g).wait()
            pltpu.async_copy(
                rows_v, out_hbm.at[pl.ds(i * L + k * CHUNK, CHUNK)], sem_o
            ).wait()
            return 0
        lax.fori_loop(0, NCH, _chunk, 0)
        return 0
    lax.fori_loop(0, ROWS_PER_W, _row, 0)


@jax.jit
def _pe2d(seq1, idx1, dist, wres, wat):
    mesh = plsc.VectorSubcoreMesh(core_axis_name="c", subcore_axis_name="s")
    f = pl.kernel(
        _pe2d_body,
        out_type=(
            jax.ShapeDtypeStruct((L * L, DP), jnp.float32),
            jax.ShapeDtypeStruct((NCORES * TAB_ROWS, DP), jnp.float32),
        ),
        mesh=mesh,
        scratch_types=[
            pltpu.VMEM((L + 16,), jnp.int32),
            pltpu.VMEM((L + 16,), jnp.int32),
            pltpu.VMEM((66 * DP,), jnp.float32),
            pltpu.VMEM((10 * DP,), jnp.float32),
            pltpu.VMEM((DP,), jnp.float32),
            pltpu.VMEM((L,), jnp.float32),
            pltpu.VMEM((CHUNK,), jnp.int32),
            pltpu.VMEM((CHUNK, DP), jnp.float32),
            pltpu.SemaphoreType.DMA,
            pltpu.SemaphoreType.DMA,
        ],
        compiler_params=pltpu.CompilerParams(use_tc_tiling_on_sc=False),
    )
    out, _tab = f(seq1, idx1, dist, wres, wat)
    return out


def kernel(seq, idx, bond_feats, dist_matrix, emb_res_W, emb_atom_W):
    del bond_feats
    seq1 = seq.reshape(L).astype(jnp.int32)
    idx1 = idx.reshape(L).astype(jnp.int32)
    dist = dist_matrix.reshape(L, L)
    wres = emb_res_W.reshape(66 * DP)
    wat = emb_atom_W.reshape(10 * DP)
    out = _pe2d(seq1, idx1, dist, wres, wat)
    return out.reshape(1, L, L, DP)

# --- scband reference (transcript-rebuilt; emitter-appended) ---
"""Pipeline reference for scband-positional-encoding2-d-43791486550440 (READ-ONLY COPY).

The authoritative reference and input builder live on the scoring server;
editing this copy changes nothing except your own understanding.
"""

import jax, jax.numpy as jnp
import numpy as np

MINPOS = -32
MAXPOS = 32
MAXPOS_ATOM = 8
D_PAIR = 64
NBIN_RES = abs(MINPOS) + MAXPOS + 2
NBIN_ATOM = MAXPOS_ATOM + 2
B = 1
L = 1024


def is_atom(seq):
    # atom tokens are token ids >= 32 (protein/NA residue tokens come first)
    return seq >= 32


def get_res_atom_dist(idx, bond_feats, dist_matrix, sm_mask, minpos_res=MINPOS, maxpos_res=MAXPOS, maxpos_atom=MAXPOS_ATOM):
    # residue-index separation for residue-residue pairs; atom-graph (bond) distance for atom-atom pairs
    prot_pair = (~sm_mask)[None, :, None] & (~sm_mask)[None, None, :]
    atom_pair = sm_mask[None, :, None] & sm_mask[None, None, :]
    res_dist = jnp.clip(idx[:, None, :] - idx[:, :, None], minpos_res, maxpos_res + 1)
    res_dist = jnp.where(prot_pair, res_dist, maxpos_res + 1)
    atom_dist = jnp.clip(dist_matrix, 0.0, float(maxpos_atom + 1))
    atom_dist = jnp.where(atom_pair, atom_dist, float(maxpos_atom + 1))
    return res_dist, atom_dist


def setup_inputs(seed: int = 0):
    key = jax.random.key(seed)
    k1, k2, k3, k4, k5, k6 = jax.random.split(key, 6)
    seq = jax.random.randint(k1, (B, L), 0, 64)
    idx = jnp.sort(jax.random.randint(k2, (B, L), 0, 2048), axis=-1)
    bond_feats = jax.random.randint(k3, (B, L, L), 0, 7)
    dist_matrix = jax.random.uniform(k4, (B, L, L), dtype=jnp.float32) * 12.0
    emb_res_W = jax.random.normal(k5, (NBIN_RES, D_PAIR), dtype=jnp.float32) * 0.02
    emb_atom_W = jax.random.normal(k6, (NBIN_ATOM, D_PAIR), dtype=jnp.float32) * 0.02
    return {"seq": seq, "idx": idx, "bond_feats": bond_feats, "dist_matrix": dist_matrix, "emb_res_W": emb_res_W, "emb_atom_W": emb_atom_W}


def reference(seq, idx, bond_feats, dist_matrix, emb_res_W, emb_atom_W):
    sm_mask = is_atom(seq[0])
    res_dist, atom_dist = get_res_atom_dist(idx, bond_feats, dist_matrix, sm_mask)
    # torch.bucketize(x, bins, right=False) == searchsorted(bins, x, side='left')
    bins_res = jnp.arange(MINPOS, MAXPOS + 1)
    ib_res = jnp.searchsorted(bins_res, res_dist, side='left')
    emb_res = jnp.take(emb_res_W, ib_res, axis=0)
    bins_atom = jnp.arange(0, MAXPOS_ATOM + 1).astype(jnp.float32)
    ib_atom = jnp.searchsorted(bins_atom, atom_dist, side='left')
    emb_atom = jnp.take(emb_atom_W, ib_atom, axis=0)
    out = emb_res + emb_atom
    return out

if __name__ == "__main__":
    import jax
    _d = setup_inputs()
    print(jax.jit(kernel)(*tuple(_d.values())))

</pallas_src>

<mosaic_0001>
#map = affine_map<(d0, d1) -> (0)>
#map1 = affine_map<(d0, d1) -> (0, 0)>
module attributes {stable_mosaic.version = 14 : i64} {
  func.func @_pe2d_body(%arg0: i32, %arg1: i32, %arg2: memref<1024xi32, #tpu.memory_space<hbm>>, %arg3: memref<1024xi32, #tpu.memory_space<hbm>>, %arg4: memref<1024x1024xf32, #tpu.memory_space<hbm>>, %arg5: memref<4224xf32, #tpu.memory_space<hbm>>, %arg6: memref<640xf32, #tpu.memory_space<hbm>>, %arg7: memref<1048576x64xf32, #tpu.memory_space<hbm>>, %arg8: memref<1600x64xf32, #tpu.memory_space<hbm>>, %arg9: memref<1040xi32, #tpu.memory_space<vmem>>, %arg10: memref<1040xi32, #tpu.memory_space<vmem>>, %arg11: memref<4224xf32, #tpu.memory_space<vmem>>, %arg12: memref<640xf32, #tpu.memory_space<vmem>>, %arg13: memref<64xf32, #tpu.memory_space<vmem>>, %arg14: memref<1024xf32, #tpu.memory_space<vmem>>, %arg15: memref<128xi32, #tpu.memory_space<vmem>>, %arg16: memref<128x64xf32, #tpu.memory_space<vmem>>, %arg17: memref<!tpu.dma_semaphore, #tpu.memory_space<semaphore_mem>>, %arg18: memref<!tpu.dma_semaphore, #tpu.memory_space<semaphore_mem>>) attributes {dimension_semantics = [#tpu.dimension_semantics<core_parallel>, #tpu.dimension_semantics<subcore_parallel>], iteration_bounds = array<i64: 2, 16>, scalar_prefetch = 0 : i64, scratch_operands = 10 : i64, tpu.core_type = #tpu.core_type<sc_vector_subcore>, window_params = [{transform_indices = #map}, {transform_indices = #map}, {transform_indices = #map1}, {transform_indices = #map}, {transform_indices = #map}, {transform_indices = #map1}, {transform_indices = #map1}]} {
    %mul3A = arith.constant 16 : i32
    %mul3A_0 = arith.muli %arg0, %mul3A : i32
    %add3A = arith.addi %mul3A_0, %arg1 : i32
    "tpu.region"() ({
      %run_scoped3A = tpu.sem_alloc : memref<!tpu.dma_semaphore, #tpu.memory_space<semaphore_mem>>
      %dma_start3A = arith.constant 0 : i32
      %dma_start3A_23 = tpu.memref_slice %arg9[%dma_start3A] : memref<1040xi32, #tpu.memory_space<vmem>> -> memref<1024xi32, #tpu.memory_space<vmem>>
      %dma_start3A_24 = arith.constant 0 : i32
      %dma_start3A_25 = tpu.memref_slice %arg9[%dma_start3A_24] : memref<1040xi32, #tpu.memory_space<vmem>> -> memref<1024xi32, #tpu.memory_space<vmem>>
      tpu.enqueue_dma source(%arg2 : memref<1024xi32, #tpu.memory_space<hbm>>) target(%dma_start3A_25 : memref<1024xi32, #tpu.memory_space<vmem>>) target_semaphore(%run_scoped3A : memref<!tpu.dma_semaphore, #tpu.memory_space<semaphore_mem>>)
      %dma_wait3A = arith.constant 0 : i32
      %dma_wait3A_26 = tpu.memref_slice %arg9[%dma_wait3A] : memref<1040xi32, #tpu.memory_space<vmem>> -> memref<1024xi32, #tpu.memory_space<vmem>>
      %dma_wait3A_27 = arith.constant 0 : i32
      %dma_wait3A_28 = tpu.memref_slice %arg9[%dma_wait3A_27] : memref<1040xi32, #tpu.memory_space<vmem>> -> memref<1024xi32, #tpu.memory_space<vmem>>
      tpu.wait_dma2 semaphore(%run_scoped3A : memref<!tpu.dma_semaphore, #tpu.memory_space<semaphore_mem>>) src(%arg2 : memref<1024xi32, #tpu.memory_space<hbm>>) dst(%dma_wait3A_28 : memref<1024xi32, #tpu.memory_space<vmem>>)
      tpu.yield
    }) : () -> ()
    "tpu.region"() ({
      %run_scoped3A = tpu.sem_alloc : memref<!tpu.dma_semaphore, #tpu.memory_space<semaphore_mem>>
      %dma_start3A = arith.constant 0 : i32
      %dma_start3A_23 = tpu.memref_slice %arg10[%dma_start3A] : memref<1040xi32, #tpu.memory_space<vmem>> -> memref<1024xi32, #tpu.memory_space<vmem>>
      %dma_start3A_24 = arith.constant 0 : i32
      %dma_start3A_25 = tpu.memref_slice %arg10[%dma_start3A_24] : memref<1040xi32, #tpu.memory_space<vmem>> -> memref<1024xi32, #tpu.memory_space<vmem>>
      tpu.enqueue_dma source(%arg3 : memref<1024xi32, #tpu.memory_space<hbm>>) target(%dma_start3A_25 : memref<1024xi32, #tpu.memory_space<vmem>>) target_semaphore(%run_scoped3A : memref<!tpu.dma_semaphore, #tpu.memory_space<semaphore_mem>>)
      %dma_wait3A = arith.constant 0 : i32
      %dma_wait3A_26 = tpu.memref_slice %arg10[%dma_wait3A] : memref<1040xi32, #tpu.memory_space<vmem>> -> memref<1024xi32, #tpu.memory_space<vmem>>
      %dma_wait3A_27 = arith.constant 0 : i32
      %dma_wait3A_28 = tpu.memref_slice %arg10[%dma_wait3A_27] : memref<1040xi32, #tpu.memory_space<vmem>> -> memref<1024xi32, #tpu.memory_space<vmem>>
      tpu.wait_dma2 semaphore(%run_scoped3A : memref<!tpu.dma_semaphore, #tpu.memory_space<semaphore_mem>>) src(%arg3 : memref<1024xi32, #tpu.memory_space<hbm>>) dst(%dma_wait3A_28 : memref<1024xi32, #tpu.memory_space<vmem>>)
      tpu.yield
    }) : () -> ()
    "tpu.region"() ({
      %run_scoped3A = tpu.sem_alloc : memref<!tpu.dma_semaphore, #tpu.memory_space<semaphore_mem>>
      tpu.enqueue_dma source(%arg5 : memref<4224xf32, #tpu.memory_space<hbm>>) target(%arg11 : memref<4224xf32, #tpu.memory_space<vmem>>) target_semaphore(%run_scoped3A : memref<!tpu.dma_semaphore, #tpu.memory_space<semaphore_mem>>)
      tpu.wait_dma2 semaphore(%run_scoped3A : memref<!tpu.dma_semaphore, #tpu.memory_space<semaphore_mem>>) src(%arg5 : memref<4224xf32, #tpu.memory_space<hbm>>) dst(%arg11 : memref<4224xf32, #tpu.memory_space<vmem>>)
      tpu.yield
    }) : () -> ()
    "tpu.region"() ({
      %run_scoped3A = tpu.sem_alloc : memref<!tpu.dma_semaphore, #tpu.memory_space<semaphore_mem>>
      tpu.enqueue_dma source(%arg6 : memref<640xf32, #tpu.memory_space<hbm>>) target(%arg12 : memref<640xf32, #tpu.memory_space<vmem>>) target_semaphore(%run_scoped3A : memref<!tpu.dma_semaphore, #tpu.memory_space<semaphore_mem>>)
      tpu.wait_dma2 semaphore(%run_scoped3A : memref<!tpu.dma_semaphore, #tpu.memory_space<semaphore_mem>>) src(%arg6 : memref<640xf32, #tpu.memory_space<hbm>>) dst(%arg12 : memref<640xf32, #tpu.memory_space<vmem>>)
      tpu.yield
    }) : () -> ()
    %scan3A = arith.constant 0 : i32
    %scan3A_1 = arith.constant 0 : i32
    %scan3A_2 = arith.constant 64 : i32
    %scan3A_3 = arith.addi %scan3A_1, %scan3A_2 : i32
    %scan3A_4 = arith.constant 1 : i32
    %scan3A_5 = scf.for %scan3A_23 = %scan3A_1 to %scan3A_3 step %scan3A_4 iter_args(%scan3A_24 = %scan3A) -> (i32)  : i32 {
      %mul3A_25 = arith.constant 16 : i32
      %mul3A_26 = arith.muli %scan3A_23, %mul3A_25 : i32
      %get3A = arith.index_cast %mul3A_26 : i32 to index
      %get3A_27 = tpu.vector_load %arg9[%get3A] {strides = array<i32>} : memref<1040xi32, #tpu.memory_space<vmem>>, vector<16xi32>,
      %get3A_28 = vector.shape_cast %get3A_27 : vector<16xi32> to vector<16xi32>
      %ge3A = arith.constant 32 : i32
      %ge3A_29 = vector.broadcast %ge3A : i32 to vector<16xi32>
      %ge3A_30 = arith.cmpi sge, %get3A_28, %ge3A_29 : vector<16xi32>
      %jit3A = arith.constant 1 : i32
      %jit3A_31 = arith.constant 0 : i32
      %broadcast_in_dim3A = vector.broadcast %jit3A : i32 to vector<16xi32>
      %broadcast_in_dim3A_32 = vector.broadcast %jit3A_31 : i32 to vector<16xi32>
      %select_n3A = arith.select %ge3A_30, %broadcast_in_dim3A, %broadcast_in_dim3A_32 : vector<16xi1>, vector<16xi32>
      %mul3A_33 = arith.constant 16 : i32
      %mul3A_34 = arith.muli %scan3A_23, %mul3A_33 : i32
      %swap3A = arith.index_cast %mul3A_34 : i32 to index
      %swap3A_35 = tpu.vector_load %arg9[%swap3A] {strides = array<i32>} : memref<1040xi32, #tpu.memory_space<vmem>>, vector<16xi32>,
      %swap3A_36 = vector.shape_cast %swap3A_35 : vector<16xi32> to vector<16xi32>
      %swap3A_37 = vector.shape_cast %select_n3A : vector<16xi32> to vector<16xi32>
      tpu.vector_store %arg9[%swap3A], %swap3A_37 {strides = array<i32>} : memref<1040xi32, #tpu.memory_space<vmem>>, vector<16xi32>,
      %scan3A_38 = arith.constant 0 : i32
      scf.yield %scan3A_38 : i32
    }
    %scan3A_6 = arith.constant 64 : i32
    %scan3A_7 = arith.constant 0 : i32
    %scan3A_8 = arith.constant 0 : i32
    %scan3A_9 = arith.constant 5 : i32
    %scan3A_10 = arith.addi %scan3A_8, %scan3A_9 : i32
    %scan3A_11 = arith.constant 1 : i32
    %scan3A_12 = scf.for %scan3A_23 = %scan3A_8 to %scan3A_10 step %scan3A_11 iter_args(%scan3A_24 = %scan3A_7) -> (i32)  : i32 {
      %mul3A_25 = arith.constant 5 : i32
      %mul3A_26 = arith.muli %arg1, %mul3A_25 : i32
      %add3A_27 = arith.addi %mul3A_26, %scan3A_23 : i32
      %min3A = arith.constant 65 : i32
      %min3A_28 = arith.minsi %add3A_27, %min3A : i32
      %scan3A_29 = arith.constant 0 : i32
      %scan3A_30 = arith.constant 0 : i32
      %scan3A_31 = arith.constant 10 : i32
      %scan3A_32 = arith.addi %scan3A_30, %scan3A_31 : i32
      %scan3A_33 = arith.constant 1 : i32
      %scan3A_34 = scf.for %scan3A_37 = %scan3A_30 to %scan3A_32 step %scan3A_33 iter_args(%scan3A_38 = %scan3A_29) -> (i32)  : i32 {
        %mul3A_39 = arith.constant 64 : i32
        %mul3A_40 = arith.muli %min3A_28, %mul3A_39 : i32
        %add3A_41 = arith.constant 0 : i32
        %add3A_42 = arith.addi %mul3A_40, %add3A_41 : i32
        %get3A = arith.index_cast %add3A_42 : i32 to index
        %get3A_43 = tpu.vector_load %arg11[%get3A] {strides = array<i32>} : memref<4224xf32, #tpu.memory_space<vmem>>, vector<16xf32>,
        %get3A_44 = vector.shape_cast %get3A_43 : vector<16xf32> to vector<16xf32>
        %mul3A_45 = arith.constant 64 : i32
        %mul3A_46 = arith.muli %scan3A_37, %mul3A_45 : i32
        %add3A_47 = arith.constant 0 : i32
        %add3A_48 = arith.addi %mul3A_46, %add3A_47 : i32
        %get3A_49 = arith.index_cast %add3A_48 : i32 to index
        %get3A_50 = tpu.vector_load %arg12[%get3A_49] {strides = array<i32>} : memref<640xf32, #tpu.memory_space<vmem>>, vector<16xf32>,
        %get3A_51 = vector.shape_cast %get3A_50 : vector<16xf32> to vector<16xf32>
        %add3A_52 = arith.addf %get3A_44, %get3A_51 : vector<16xf32>
        %swap3A = arith.constant 0 : index
        %swap3A_53 = tpu.vector_load %arg13[%swap3A] {strides = array<i32>} : memref<64xf32, #tpu.memory_space<vmem>>, vector<16xf32>,
        %swap3A_54 = vector.shape_cast %swap3A_53 : vector<16xf32> to vector<16xf32>
        %swap3A_55 = vector.shape_cast %add3A_52 : vector<16xf32> to vector<16xf32>
        tpu.vector_store %arg13[%swap3A], %swap3A_55 {strides = array<i32>} : memref<64xf32, #tpu.memory_space<vmem>>, vector<16xf32>,
        %mul3A_56 = arith.constant 64 : i32
        %mul3A_57 = arith.muli %min3A_28, %mul3A_56 : i32
        %add3A_58 = arith.constant 16 : i32
        %add3A_59 = arith.addi %mul3A_57, %add3A_58 : i32
        %get3A_60 = arith.index_cast %add3A_59 : i32 to index
        %get3A_61 = tpu.vector_load %arg11[%get3A_60] {strides = array<i32>} : memref<4224xf32, #tpu.memory_space<vmem>>, vector<16xf32>,
        %get3A_62 = vector.shape_cast %get3A_61 : vector<16xf32> to vector<16xf32>
        %mul3A_63 = arith.constant 64 : i32
        %mul3A_64 = arith.muli %scan3A_37, %mul3A_63 : i32
        %add3A_65 = arith.constant 16 : i32
        %add3A_66 = arith.addi %mul3A_64, %add3A_65 : i32
        %get3A_67 = arith.index_cast %add3A_66 : i32 to index
        %get3A_68 = tpu.vector_load %arg12[%get3A_67] {strides = array<i32>} : memref<640xf32, #tpu.memory_space<vmem>>, vector<16xf32>,
        %get3A_69 = vector.shape_cast %get3A_68 : vector<16xf32> to vector<16xf32>
        %add3A_70 = arith.addf %get3A_62, %get3A_69 : vector<16xf32>
        %swap3A_71 = arith.constant 16 : index
        %swap3A_72 = tpu.vector_load %arg13[%swap3A_71] {strides = array<i32>} : memref<64xf32, #tpu.memory_space<vmem>>, vector<16xf32>,
        %swap3A_73 = vector.shape_cast %swap3A_72 : vector<16xf32> to vector<16xf32>
        %swap3A_74 = vector.shape_cast %add3A_70 : vector<16xf32> to vector<16xf32>
        tpu.vector_store %arg13[%swap3A_71], %swap3A_74 {strides = array<i32>} : memref<64xf32, #tpu.memory_space<vmem>>, vector<16xf32>,
        %mul3A_75 = arith.constant 64 : i32
        %mul3A_76 = arith.muli %min3A_28, %mul3A_75 : i32
        %add3A_77 = arith.constant 32 : i32
        %add3A_78 = arith.addi %mul3A_76, %add3A_77 : i32
        %get3A_79 = arith.index_cast %add3A_78 : i32 to index
        %get3A_80 = tpu.vector_load %arg11[%get3A_79] {strides = array<i32>} : memref<4224xf32, #tpu.memory_space<vmem>>, vector<16xf32>,
        %get3A_81 = vector.shape_cast %get3A_80 : vector<16xf32> to vector<16xf32>
        %mul3A_82 = arith.constant 64 : i32
        %mul3A_83 = arith.muli %scan3A_37, %mul3A_82 : i32
        %add3A_84 = arith.constant 32 : i32
        %add3A_85 = arith.addi %mul3A_83, %add3A_84 : i32
        %get3A_86 = arith.index_cast %add3A_85 : i32 to index
        %get3A_87 = tpu.vector_load %arg12[%get3A_86] {strides = array<i32>} : memref<640xf32, #tpu.memory_space<vmem>>, vector<16xf32>,
        %get3A_88 = vector.shape_cast %get3A_87 : vector<16xf32> to vector<16xf32>
        %add3A_89 = arith.addf %get3A_81, %get3A_88 : vector<16xf32>
        %swap3A_90 = arith.constant 32 : index
        %swap3A_91 = tpu.vector_load %arg13[%swap3A_90] {strides = array<i32>} : memref<64xf32, #tpu.memory_space<vmem>>, vector<16xf32>,
        %swap3A_92 = vector.shape_cast %swap3A_91 : vector<16xf32> to vector<16xf32>
        %swap3A_93 = vector.shape_cast %add3A_89 : vector<16xf32> to vector<16xf32>
        tpu.vector_store %arg13[%swap3A_90], %swap3A_93 {strides = array<i32>} : memref<64xf32, #tpu.memory_space<vmem>>, vector<16xf32>,
        %mul3A_94 = arith.constant 64 : i32
        %mul3A_95 = arith.muli %min3A_28, %mul3A_94 : i32
        %add3A_96 = arith.constant 48 : i32
        %add3A_97 = arith.addi %mul3A_95, %add3A_96 : i32
        %get3A_98 = arith.index_cast %add3A_97 : i32 to index
        %get3A_99 = tpu.vector_load %arg11[%get3A_98] {strides = array<i32>} : memref<4224xf32, #tpu.memory_space<vmem>>, vector<16xf32>,
        %get3A_100 = vector.shape_cast %get3A_99 : vector<16xf32> to vector<16xf32>
        %mul3A_101 = arith.constant 64 : i32
        %mul3A_102 = arith.muli %scan3A_37, %mul3A_101 : i32
        %add3A_103 = arith.constant 48 : i32
        %add3A_104 = arith.addi %mul3A_102, %add3A_103 : i32
        %get3A_105 = arith.index_cast %add3A_104 : i32 to index
        %get3A_106 = tpu.vector_load %arg12[%get3A_105] {strides = array<i32>} : memref<640xf32, #tpu.memory_space<vmem>>, vector<16xf32>,
        %get3A_107 = vector.shape_cast %get3A_106 : vector<16xf32> to vector<16xf32>
        %add3A_108 = arith.addf %get3A_100, %get3A_107 : vector<16xf32>
        %swap3A_109 = arith.constant 48 : index
        %swap3A_110 = tpu.vector_load %arg13[%swap3A_109] {strides = array<i32>} : memref<64xf32, #tpu.memory_space<vmem>>, vector<16xf32>,
        %swap3A_111 = vector.shape_cast %swap3A_110 : vector<16xf32> to vector<16xf32>
        %swap3A_112 = vector.shape_cast %add3A_108 : vector<16xf32> to vector<16xf32>
        tpu.vector_store %arg13[%swap3A_109], %swap3A_112 {strides = array<i32>} : memref<64xf32, #tpu.memory_space<vmem>>, vector<16xf32>,
        %mul3A_113 = arith.constant 800 : i32
        %mul3A_114 = arith.muli %arg0, %mul3A_113 : i32
        %mul3A_115 = arith.constant 10 : i32
        %mul3A_116 = arith.muli %add3A_27, %mul3A_115 : i32
        %add3A_117 = arith.addi %mul3A_114, %mul3A_116 : i32
        %add3A_118 = arith.addi %add3A_117, %scan3A_37 : i32
        "tpu.region"() ({
          %run_scoped3A = tpu.sem_alloc : memref<!tpu.dma_semaphore, #tpu.memory_space<semaphore_mem>>
          %dma_start3A = arith.constant 0 : i32
          %dma_start3A_120 = tpu.memref_slice %arg8[%add3A_118, %dma_start3A] : memref<1600x64xf32, #tpu.memory_space<hbm>> -> memref<1x64xf32, #tpu.memory_space<hbm>>
          %dma_start3A_121 = tpu.memref_squeeze %dma_start3A_120 : memref<1x64xf32, #tpu.memory_space<hbm>> -> memref<64xf32, #tpu.memory_space<hbm>>
          %dma_start3A_122 = arith.constant 0 : i32
          %dma_start3A_123 = tpu.memref_slice %arg8[%add3A_118, %dma_start3A_122] : memref<1600x64xf32, #tpu.memory_space<hbm>> -> memref<1x64xf32, #tpu.memory_space<hbm>>
          %dma_start3A_124 = tpu.memref_squeeze %dma_start3A_123 : memref<1x64xf32, #tpu.memory_space<hbm>> -> memref<64xf32, #tpu.memory_space<hbm>>
          tpu.enqueue_dma source(%arg13 : memref<64xf32, #tpu.memory_space<vmem>>) target(%dma_start3A_124 : memref<64xf32, #tpu.memory_space<hbm>>) target_semaphore(%run_scoped3A : memref<!tpu.dma_semaphore, #tpu.memory_space<semaphore_mem>>)
          %dma_wait3A = arith.constant 0 : i32
          %dma_wait3A_125 = tpu.memref_slice %arg8[%add3A_118, %dma_wait3A] : memref<1600x64xf32, #tpu.memory_space<hbm>> -> memref<1x64xf32, #tpu.memory_space<hbm>>
          %dma_wait3A_126 = tpu.memref_squeeze %dma_wait3A_125 : memref<1x64xf32, #tpu.memory_space<hbm>> -> memref<64xf32, #tpu.memory_space<hbm>>
          %dma_wait3A_127 = arith.constant 0 : i32
          %dma_wait3A_128 = tpu.memref_slice %arg8[%add3A_118, %dma_wait3A_127] : memref<1600x64xf32, #tpu.memory_space<hbm>> -> memref<1x64xf32, #tpu.memory_space<hbm>>
          %dma_wait3A_129 = tpu.memref_squeeze %dma_wait3A_128 : memref<1x64xf32, #tpu.memory_space<hbm>> -> memref<64xf32, #tpu.memory_space<hbm>>
          tpu.wait_dma2 semaphore(%run_scoped3A : memref<!tpu.dma_semaphore, #tpu.memory_space<semaphore_mem>>) src(%arg13 : memref<64xf32, #tpu.memory_space<vmem>>) dst(%dma_wait3A_129 : memref<64xf32, #tpu.memory_space<hbm>>)
          tpu.yield
        }) : () -> ()
        %scan3A_119 = arith.constant 0 : i32
        scf.yield %scan3A_119 : i32
      }
      %scan3A_35 = arith.constant 10 : i32
      %scan3A_36 = arith.constant 0 : i32
      scf.yield %scan3A_36 : i32
    }
    %scan3A_13 = arith.constant 5 : i32
    %barrier3A = arith.constant 0 : index
    tpu.barrier barrier_id(%barrier3A)
    %mul3A_14 = arith.constant 800 : i32
    %mul3A_15 = arith.muli %arg0, %mul3A_14 : i32
    %scan3A_16 = arith.constant 0 : i32
    %scan3A_17 = arith.constant 0 : i32
    %scan3A_18 = arith.constant 32 : i32
    %scan3A_19 = arith.addi %scan3A_17, %scan3A_18 : i32
    %scan3A_20 = arith.constant 1 : i32
    %scan3A_21 = scf.for %scan3A_23 = %scan3A_17 to %scan3A_19 step %scan3A_20 iter_args(%scan3A_24 = %scan3A_16) -> (i32)  : i32 {
      %mul3A_25 = arith.constant 32 : i32
      %mul3A_26 = arith.muli %add3A, %mul3A_25 : i32
      %add3A_27 = arith.addi %mul3A_26, %scan3A_23 : i32
      "tpu.region"() ({
        %run_scoped3A = tpu.sem_alloc : memref<!tpu.dma_semaphore, #tpu.memory_space<semaphore_mem>>
        %dma_start3A = arith.constant 0 : i32
        %dma_start3A_44 = tpu.memref_slice %arg4[%add3A_27, %dma_start3A] : memref<1024x1024xf32, #tpu.memory_space<hbm>> -> memref<1x1024xf32, #tpu.memory_space<hbm>>
        %dma_start3A_45 = tpu.memref_squeeze %dma_start3A_44 : memref<1x1024xf32, #tpu.memory_space<hbm>> -> memref<1024xf32, #tpu.memory_space<hbm>>
        %dma_start3A_46 = arith.constant 0 : i32
        %dma_start3A_47 = tpu.memref_slice %arg4[%add3A_27, %dma_start3A_46] : memref<1024x1024xf32, #tpu.memory_space<hbm>> -> memref<1x1024xf32, #tpu.memory_space<hbm>>
        %dma_start3A_48 = tpu.memref_squeeze %dma_start3A_47 : memref<1x1024xf32, #tpu.memory_space<hbm>> -> memref<1024xf32, #tpu.memory_space<hbm>>
        tpu.enqueue_dma source(%dma_start3A_48 : memref<1024xf32, #tpu.memory_space<hbm>>) target(%arg14 : memref<1024xf32, #tpu.memory_space<vmem>>) target_semaphore(%run_scoped3A : memref<!tpu.dma_semaphore, #tpu.memory_space<semaphore_mem>>)
        %dma_wait3A = arith.constant 0 : i32
        %dma_wait3A_49 = tpu.memref_slice %arg4[%add3A_27, %dma_wait3A] : memref<1024x1024xf32, #tpu.memory_space<hbm>> -> memref<1x1024xf32, #tpu.memory_space<hbm>>
        %dma_wait3A_50 = tpu.memref_squeeze %dma_wait3A_49 : memref<1x1024xf32, #tpu.memory_space<hbm>> -> memref<1024xf32, #tpu.memory_space<hbm>>
        %dma_wait3A_51 = arith.constant 0 : i32
        %dma_wait3A_52 = tpu.memref_slice %arg4[%add3A_27, %dma_wait3A_51] : memref<1024x1024xf32, #tpu.memory_space<hbm>> -> memref<1x1024xf32, #tpu.memory_space<hbm>>
        %dma_wait3A_53 = tpu.memref_squeeze %dma_wait3A_52 : memref<1x1024xf32, #tpu.memory_space<hbm>> -> memref<1024xf32, #tpu.memory_space<hbm>>
        tpu.wait_dma2 semaphore(%run_scoped3A : memref<!tpu.dma_semaphore, #tpu.memory_space<semaphore_mem>>) src(%dma_wait3A_53 : memref<1024xf32, #tpu.memory_space<hbm>>) dst(%arg14 : memref<1024xf32, #tpu.memory_space<vmem>>)
        tpu.yield
      }) : () -> ()
      %get3A = arith.index_cast %add3A_27 : i32 to index
      %get3A_28 = tpu.vector_load %arg10[%get3A] {strides = array<i32>} : memref<1040xi32, #tpu.memory_space<vmem>>, vector<16xi32>,
      %get3A_29 = vector.shape_cast %get3A_28 : vector<16xi32> to vector<16xi32>
      %slice3A = vector.extract_strided_slice %get3A_29 {offsets = [0], sizes = [1], strides = [1]} : vector<16xi32> to vector<1xi32>
      %squeeze3A = vector.extract %slice3A[0] : i32 from vector<1xi32>
      %broadcast_in_dim3A = vector.broadcast %squeeze3A : i32 to vector<16xi32>
      %get3A_30 = arith.index_cast %add3A_27 : i32 to index
      %get3A_31 = tpu.vector_load %arg9[%get3A_30] {strides = array<i32>} : memref<1040xi32, #tpu.memory_space<vmem>>, vector<16xi32>,
      %get3A_32 = vector.shape_cast %get3A_31 : vector<16xi32> to vector<16xi32>
      %slice3A_33 = vector.extract_strided_slice %get3A_32 {offsets = [0], sizes = [1], strides = [1]} : vector<16xi32> to vector<1xi32>
      %squeeze3A_34 = vector.extract %slice3A_33[0] : i32 from vector<1xi32>
      %broadcast_in_dim3A_35 = vector.broadcast %squeeze3A_34 : i32 to vector<16xi32>
      %scan3A_36 = arith.constant 0 : i32
      %scan3A_37 = arith.constant 0 : i32
      %scan3A_38 = arith.constant 8 : i32
      %scan3A_39 = arith.addi %scan3A_37, %scan3A_38 : i32
      %scan3A_40 = arith.constant 1 : i32
      %scan3A_41 = scf.for %scan3A_44 = %scan3A_37 to %scan3A_39 step %scan3A_40 iter_args(%scan3A_45 = %scan3A_36) -> (i32)  : i32 {
        %scan3A_46 = arith.constant 0 : i32
        %scan3A_47 = arith.constant 0 : i32
        %scan3A_48 = arith.constant 8 : i32
        %scan3A_49 = arith.addi %scan3A_47, %scan3A_48 : i32
        %scan3A_50 = arith.constant 1 : i32
        %scan3A_51 = scf.for %scan3A_71 = %scan3A_47 to %scan3A_49 step %scan3A_50 iter_args(%scan3A_72 = %scan3A_46) -> (i32)  : i32 {
          %mul3A_73 = arith.constant 128 : i32
          %mul3A_74 = arith.muli %scan3A_44, %mul3A_73 : i32
          %mul3A_75 = arith.constant 16 : i32
          %mul3A_76 = arith.muli %scan3A_71, %mul3A_75 : i32
          %add3A_77 = arith.addi %mul3A_74, %mul3A_76 : i32
          %get3A_78 = arith.index_cast %add3A_77 : i32 to index
          %get3A_79 = tpu.vector_load %arg10[%get3A_78] {strides = array<i32>} : memref<1040xi32, #tpu.memory_space<vmem>>, vector<16xi32>,
          %get3A_80 = vector.shape_cast %get3A_79 : vector<16xi32> to vector<16xi32>
          %get3A_81 = arith.index_cast %add3A_77 : i32 to index
          %get3A_82 = tpu.vector_load %arg9[%get3A_81] {strides = array<i32>} : memref<1040xi32, #tpu.memory_space<vmem>>, vector<16xi32>,
          %get3A_83 = vector.shape_cast %get3A_82 : vector<16xi32> to vector<16xi32>
          %get3A_84 = arith.index_cast %add3A_77 : i32 to index
          %get3A_85 = tpu.vector_load %arg14[%get3A_84] {strides = array<i32>} : memref<1024xf32, #tpu.memory_space<vmem>>, vector<16xf32>,
          %get3A_86 = vector.shape_cast %get3A_85 : vector<16xf32> to vector<16xf32>
          %sub3A = arith.subi %get3A_80, %broadcast_in_dim3A : vector<16xi32>
          %jit3A = arith.constant -32 : i32
          %jit3A_87 = arith.constant 33 : i32
          %max3A = vector.broadcast %jit3A : i32 to vector<16xi32>
          %max3A_88 = arith.maxsi %max3A, %sub3A : vector<16xi32>
          %min3A = vector.broadcast %jit3A_87 : i32 to vector<16xi32>
          %min3A_89 = arith.minsi %min3A, %max3A_88 : vector<16xi32>
          %add3A_90 = arith.addi %broadcast_in_dim3A_35, %get3A_83 : vector<16xi32>
          %gt3A = arith.constant 0 : i32
          %gt3A_91 = vector.broadcast %gt3A : i32 to vector<16xi32>
          %gt3A_92 = arith.cmpi sgt, %add3A_90, %gt3A_91 : vector<16xi32>
          %jit3A_93 = arith.constant 33 : i32
          %broadcast_in_dim3A_94 = vector.broadcast %jit3A_93 : i32 to vector<16xi32>
          %select_n3A = arith.select %gt3A_92, %broadcast_in_dim3A_94, %min3A_89 : vector<16xi1>, vector<16xi32>
          %add3A_95 = arith.constant 32 : i32
          %add3A_96 = vector.broadcast %add3A_95 : i32 to vector<16xi32>
          %add3A_97 = arith.addi %select_n3A, %add3A_96 : vector<16xi32>
          %max3A_98 = arith.constant 0.000000e+00 : f32
          %max3A_99 = vector.broadcast %max3A_98 : f32 to vector<16xf32>
          %max3A_100 = arith.maximumf %get3A_86, %max3A_99 : vector<16xf32>
          %min3A_101 = arith.constant 9.000000e+00 : f32
          %min3A_102 = vector.broadcast %min3A_101 : f32 to vector<16xf32>
          %min3A_103 = arith.minimumf %max3A_100, %min3A_102 : vector<16xf32>
          %add3A_104 = arith.addi %broadcast_in_dim3A_35, %get3A_83 : vector<16xi32>
          %eq3A = arith.constant 2 : i32
          %eq3A_105 = vector.broadcast %eq3A : i32 to vector<16xi32>
          %eq3A_106 = arith.cmpi eq, %add3A_104, %eq3A_105 : vector<16xi32>
          %jit3A_107 = arith.constant 9.000000e+00 : f32
          %broadcast_in_dim3A_108 = vector.broadcast %jit3A_107 : f32 to vector<16xf32>
          %select_n3A_109 = arith.select %eq3A_106, %min3A_103, %broadcast_in_dim3A_108 : vector<16xi1>, vector<16xf32>
          %convert_element_type3A = arith.fptosi %select_n3A_109 : vector<16xf32> to vector<16xi32>
          %convert_element_type3A_110 = arith.sitofp %convert_element_type3A : vector<16xi32> to vector<16xf32>
          %lt3A = arith.cmpf olt, %convert_element_type3A_110, %select_n3A_109 : vector<16xf32>
          %jit3A_111 = arith.constant 1 : i32
          %jit3A_112 = arith.constant 0 : i32
          %broadcast_in_dim3A_113 = vector.broadcast %jit3A_111 : i32 to vector<16xi32>
          %broadcast_in_dim3A_114 = vector.broadcast %jit3A_112 : i32 to vector<16xi32>
          %select_n3A_115 = arith.select %lt3A, %broadcast_in_dim3A_113, %broadcast_in_dim3A_114 : vector<16xi1>, vector<16xi32>
          %add3A_116 = arith.addi %convert_element_type3A, %select_n3A_115 : vector<16xi32>
          %mul3A_117 = arith.constant 10 : i32
          %mul3A_118 = vector.broadcast %mul3A_117 : i32 to vector<16xi32>
          %mul3A_119 = arith.muli %add3A_97, %mul3A_118 : vector<16xi32>
          %add3A_120 = vector.broadcast %mul3A_15 : i32 to vector<16xi32>
          %add3A_121 = arith.addi %add3A_120, %mul3A_119 : vector<16xi32>
          %add3A_122 = arith.addi %add3A_121, %add3A_116 : vector<16xi32>
          %mul3A_123 = arith.constant 16 : i32
          %mul3A_124 = arith.muli %scan3A_71, %mul3A_123 : i32
          %swap3A = arith.index_cast %mul3A_124 : i32 to index
          %swap3A_125 = tpu.vector_load %arg15[%swap3A] {strides = array<i32>} : memref<128xi32, #tpu.memory_space<vmem>>, vector<16xi32>,
          %swap3A_126 = vector.shape_cast %swap3A_125 : vector<16xi32> to vector<16xi32>
          %swap3A_127 = vector.shape_cast %add3A_122 : vector<16xi32> to vector<16xi32>
          tpu.vector_store %arg15[%swap3A], %swap3A_127 {strides = array<i32>} : memref<128xi32, #tpu.memory_space<vmem>>, vector<16xi32>,
          %scan3A_128 = arith.constant 0 : i32
          scf.yield %scan3A_128 : i32
        }
        %scan3A_52 = arith.constant 8 : i32
        %dma_start3A = arith.constant 0 : i32
        %dma_start3A_53 = arith.constant 0 : i32
        %dma_start3A_54 = tpu.memref_slice %arg8[%dma_start3A, %dma_start3A_53] : memref<1600x64xf32, #tpu.memory_space<hbm>> -> memref<1600x64xf32, #tpu.memory_space<hbm>>
        tpu.enqueue_indirect_dma source(%dma_start3A_54 : memref<1600x64xf32, #tpu.memory_space<hbm>>) target(%arg16 : memref<128x64xf32, #tpu.memory_space<vmem>>) offsets(%arg15 : memref<128xi32, #tpu.memory_space<vmem>>) semaphore(%arg17 : memref<!tpu.dma_semaphore, #tpu.memory_space<semaphore_mem>>)
        %dma_wait3A = arith.constant 0 : i32
        %dma_wait3A_55 = arith.constant 0 : i32
        %dma_wait3A_56 = tpu.memref_slice %arg8[%dma_wait3A, %dma_wait3A_55] : memref<1600x64xf32, #tpu.memory_space<hbm>> -> memref<1600x64xf32, #tpu.memory_space<hbm>>
        tpu.wait_indirect_dma semaphore(%arg17 : memref<!tpu.dma_semaphore, #tpu.memory_space<semaphore_mem>>) src(%dma_wait3A_56 : memref<1600x64xf32, #tpu.memory_space<hbm>>) dst(%arg16 : memref<128x64xf32, #tpu.memory_space<vmem>>)
        %mul3A_57 = arith.constant 1024 : i32
        %mul3A_58 = arith.muli %add3A_27, %mul3A_57 : i32
        %mul3A_59 = arith.constant 128 : i32
        %mul3A_60 = arith.muli %scan3A_44, %mul3A_59 : i32
        %add3A_61 = arith.addi %mul3A_58, %mul3A_60 : i32
        %dma_start3A_62 = arith.constant 0 : i32
        %dma_start3A_63 = tpu.memref_slice %arg7[%add3A_61, %dma_start3A_62] : memref<1048576x64xf32, #tpu.memory_space<hbm>> -> memref<128x64xf32, #tpu.memory_space<hbm>>
        %dma_start3A_64 = arith.constant 0 : i32
        %dma_start3A_65 = tpu.memref_slice %arg7[%add3A_61, %dma_start3A_64] : memref<1048576x64xf32, #tpu.memory_space<hbm>> -> memref<128x64xf32, #tpu.memory_space<hbm>>
        tpu.enqueue_dma source(%arg16 : memref<128x64xf32, #tpu.memory_space<vmem>>) target(%dma_start3A_65 : memref<128x64xf32, #tpu.memory_space<hbm>>) target_semaphore(%arg18 : memref<!tpu.dma_semaphore, #tpu.memory_space<semaphore_mem>>)
        %dma_wait3A_66 = arith.constant 0 : i32
        %dma_wait3A_67 = tpu.memref_slice %arg7[%add3A_61, %dma_wait3A_66] : memref<1048576x64xf32, #tpu.memory_space<hbm>> -> memref<128x64xf32, #tpu.memory_space<hbm>>
        %dma_wait3A_68 = arith.constant 0 : i32
        %dma_wait3A_69 = tpu.memref_slice %arg7[%add3A_61, %dma_wait3A_68] : memref<1048576x64xf32, #tpu.memory_space<hbm>> -> memref<128x64xf32, #tpu.memory_space<hbm>>
        tpu.wait_dma2 semaphore(%arg18 : memref<!tpu.dma_semaphore, #tpu.memory_space<semaphore_mem>>) src(%arg16 : memref<128x64xf32, #tpu.memory_space<vmem>>) dst(%dma_wait3A_69 : memref<128x64xf32, #tpu.memory_space<hbm>>)
        %scan3A_70 = arith.constant 0 : i32
        scf.yield %scan3A_70 : i32
      }
      %scan3A_42 = arith.constant 8 : i32
      %scan3A_43 = arith.constant 0 : i32
      scf.yield %scan3A_43 : i32
    }
    %scan3A_22 = arith.constant 32 : i32
    return
  }
}

</mosaic_0001>

<sc_bundles>
// kernel: _pe2d.3.cloned.1.call-start
scs
__scs_entry_jumppad:
0x0: {  	(pc) =	sbr.rel $0x88, $3  }
0x1: {  	(tag) =	ssettag $0x0;
	lr =	simm.s32 $0x1  }
0x2: {  	[smem:$0x3F9C] =	sst lr;
	_ =	strace $0xD0000000  }
0x3: {  	_ = 	snop  }
0x4: {  	_ = 	snop  }
0x5: {  	_ = 	snop  }
0x6: {  	_ = 	snop  }
0x7: {  	_ = 	snop  }
__scs_overlays_trampoline_lowered:
0x8: {  	[smem:$0x3FAB] =	sst s0  }
0x9: {  	[smem:$0x3FAC] =	sst s1  }
0xa: {  	[smem:$0x3FAD] =	sst s2  }
0xb: {  	[smem:$0x3FAE] =	sst s3  }
0xc: {  	[smem:$0x3FAF] =	sst s4  }
0xd: {  	[smem:$0x3FB0] =	sst s5  }
0xe: {  	[smem:$0x3FB1] =	sst s6  }
0xf: {  	[smem:$0x3FB2] =	sst s7  }
0x10: {  	[smem:$0x3FB3] =	sst s8  }
0x11: {  	[smem:$0x3FB4] =	sst s9;
	s0 =	simm.s32 @!p0 $0x0  }
0x12: {  	s1 =	sld [smem:$0x3F9A];
	s0 =	simm.s32 @p0 $0x1  }
0x13: {  	[smem:$0x3FB5] =	sst s0;
	s0 =	simm.s32 @!p1 $0x0  }
0x14: {  	s2 =	sld [smem:$0x3F99];
	s0 =	simm.s32 @p1 $0x1  }
0x15: {  	[smem:$0x3FB6] =	sst s0;
	s0 =	simm.s32 @!p2 $0x0  }
0x16: {  	s3 =	sld [smem:$0x3FDB];
	s0 =	simm.s32 @p2 $0x1  }
0x17: {  	s4 =	simm.s32 $0x1BF5;
	[smem:$0x3FB8] =	sst s0  }
0x18: {  	s0 =	sld [smem:$0x3F9B];
	_ =	swait.ge [sflag:s4], $0x0  }
0x19: {  	s7 =	sld [smem:$0x3F9C]  }
0x1a: {  	s8 =	sadd.s32 $0xFFFFE003, lr  }
0x1b: {  	s9 =	sadd.s32 $0xFFFFFEF7, lr;
	s5 =	simm.s32 $0xFFFFFFFF;
	p2 =	slt.u32 s8, $0xFFFFF086  }
0x1c: {  	p1 =	slt.u32 s9, $0xF7A;
	s5 =	simm.s32 @!p2 $0x0  }
0x1d: {  	s5 =	simm.s32 @p1 $0x1;
	p0 =	seq.s32 s7, s2  }
0x1e: {  	s7 =	smul.u32 @!p0 $0xF7A, s2;
	p2 =	seq.s32 @!p0 s5, $0x0  }
0x1f: {  	s9 =	smul.u32 $0xF7A, s1;
	s8 =	simm.s32 @!p0 $0x1BF5;
	p2 =	por !p2, p0  }
0x20: {  	[sflag:s8] =	ssyncset.s32 @!p0 $0xFFFFF086;
	s6 =	sadd.s32 @!p0 s3, s7;
	s7 =	simm.s32 @!p0 $0x108  }
0x21: {  	s3 =	sadd.s32 s3, s9;
	s6 =	sadd.s32 @!p0 $0x88, s6;
	s7 =	simm.s32 @p2 $0x1082  }
0x22: {  	[simem:s7], [sflag:s8] =	dma.local @!p0 [hbm:s6], $0xF7A  }
0x23: {  	s9 =	sor.u32 $0xD0000000, s2;
	s6 =	simm.s32 $0x108;
	_ =	swait.ge @!p0 [sflag:s8], $0x0  }
0x24: {  	s3 =	sadd.s32 $0x88, s3;
	s6 =	simm.s32 @!p1 $0x1082;
	[sflag:s4] =	ssyncset.s32 $0xFFFFF086  }
0x25: {  	[simem:s6], [sflag:s4] =	dma.local [hbm:s3], $0xF7A  }
0x26: {  	[smem:$0x3F9C] =	sst s1;
	(tag) =	ssettag s2;
	_ =	strace s9  }
0x27: {  	s1 =	sld [smem:$0x3FAC]  }
0x28: {  	s2 =	sld [smem:$0x3FAD]  }
0x29: {  	s4 =	sld [smem:$0x3FAF]  }
0x2a: {  	p0 =	seq.s32 s5, $0x0;
	s5 =	sld [smem:$0x3FB0]  }
0x2b: {  	s6 =	sld [smem:$0x3FB1]  }
0x2c: {  	s7 =	sld [smem:$0x3FB2]  }
0x2d: {  	s3 =	simm.s32 $0x108;
	s8 =	sld [smem:$0x3FB3]  }
0x2e: {  	s3 =	simm.s32 @!p0 $0x1082;
	s9 =	sld [smem:$0x3FB4]  }
0x2f: {  	lr =	sadd.s32 s0, s3;
	s0 =	sld [smem:$0x3FAB]  }
0x30: {  	s3 =	sld [smem:$0x3FAE]  }
0x31: {  	[smem:$0x3FB7] =	sst s10  }
0x32: {  	s10 =	sld [smem:$0x3FB5];
	_ =	sdelay $0x3  }
0x33: {  	p0 =	seq.s32 s10, $0x1;
	s10 =	sld [smem:$0x3FB7];
	_ =	sdelay $0x3  }
0x34: {  	[smem:$0x3FB7] =	sst s10  }
0x35: {  	s10 =	sld [smem:$0x3FB6];
	_ =	sdelay $0x3  }
0x36: {  	p1 =	seq.s32 s10, $0x1;
	s10 =	sld [smem:$0x3FB7];
	_ =	sdelay $0x3  }
0x37: {  	[smem:$0x3FB7] =	sst s10  }
0x38: {  	s10 =	sld [smem:$0x3FB8]  }
0x39: {  	_ = 	snop;
	(pc) =	sbr.ind lr, $3  }
0x3a: {  	_ = 	snop  }
0x3b: {  	_ = 	snop  }
0x3c: {  	p2 =	seq.s32 s10, $0x1;
	s10 =	sld [smem:$0x3FB7]  }
0x3d: {  	_ =	shalt  }
0x3e: {  	_ =	shalt  }
0x3f: {  	_ =	shalt  }
0x40: {  	_ =	shalt  }
0x41: {  	_ =	shalt  }
0x42: {  	_ =	shalt  }
0x43: {  	_ =	shalt  }
0x44: {  	_ =	shalt  }
0x45: {  	_ =	shalt  }
0x46: {  	_ =	shalt  }
0x47: {  	_ =	shalt  }
0x48: {  	_ =	shalt  }
0x49: {  	_ =	shalt  }
0x4a: {  	_ =	shalt  }
0x4b: {  	_ =	shalt  }
0x4c: {  	_ =	shalt  }
0x4d: {  	_ =	shalt  }
0x4e: {  	_ =	shalt  }
0x4f: {  	_ =	shalt  }
0x50: {  	_ =	shalt  }
0x51: {  	_ =	shalt  }
0x52: {  	_ =	shalt  }
0x53: {  	_ =	shalt  }
0x54: {  	_ =	shalt  }
0x55: {  	_ =	shalt  }
0x56: {  	_ =	shalt  }
0x57: {  	_ =	shalt  }
0x58: {  	_ =	shalt  }
0x59: {  	_ =	shalt  }
0x5a: {  	_ =	shalt  }
0x5b: {  	_ =	shalt  }
0x5c: {  	_ =	shalt  }
0x5d: {  	_ =	shalt  }
0x5e: {  	_ =	shalt  }
0x5f: {  	_ =	shalt  }
0x60: {  	_ =	shalt  }
0x61: {  	_ =	shalt  }
0x62: {  	_ =	shalt  }
0x63: {  	_ =	shalt  }
0x64: {  	_ =	shalt  }
0x65: {  	_ =	shalt  }
0x66: {  	_ =	shalt  }
0x67: {  	_ =	shalt  }
0x68: {  	_ =	shalt  }
0x69: {  	_ =	shalt  }
0x6a: {  	_ =	shalt  }
0x6b: {  	_ =	shalt  }
0x6c: {  	_ =	shalt  }
0x6d: {  	_ =	shalt  }
0x6e: {  	_ =	shalt  }
0x6f: {  	_ =	shalt  }
0x70: {  	_ =	shalt  }
0x71: {  	_ =	shalt  }
0x72: {  	_ =	shalt  }
0x73: {  	_ =	shalt  }
0x74: {  	_ =	shalt  }
0x75: {  	_ =	shalt  }
0x76: {  	_ =	shalt  }
0x77: {  	_ =	shalt  }
0x78: {  	_ =	shalt  }
0x79: {  	_ =	shalt  }
0x7a: {  	_ =	shalt  }
0x7b: {  	_ =	shalt  }
0x7c: {  	_ =	shalt  }
0x7d: {  	_ =	shalt  }
0x7e: {  	_ =	shalt  }
0x7f: {  	_ =	shalt  }
0x80: {  	_ =	shalt  }
0x81: {  	_ =	shalt  }
0x82: {  	_ =	shalt  }
0x83: {  	_ =	shalt  }
0x84: {  	_ =	shalt  }
0x85: {  	_ =	shalt  }
0x86: {  	_ =	shalt  }
0x87: {  	_ =	shalt  }
.Lfunc_end0:
.L_simem_size_0:
called_computation.1_lowered:
.L_overlay_start_0:
0x88: {  	s2 =	sld [smem:$0x3FD9]  }
0x89: {  	s3 =	sld [smem:$0x3FFE];
	_ =	sdelay $0x1  }
0x8a: {  	s1 =	srdreg.scid  }
0x8b: {  	s0 =	sand.u32 $0x1, s1  }
0x8c: {  	s17 =	sshll.u32 s0, $0xA;
	s2 =	sadd.s32 s3, s2  }
0x8d: {  	s2 =	sadd.s32 s2, s17  }
0x8e: {  	[smem:$0x3FC3] =	sst s2  }
0x8f: {  	_ = 	snop  }
0x90: {  	s2 =	sld [smem:$0x3FC9]  }
0x91: {  	s18 =	sld [smem:$0x3FC8]  }
0x92: {  	s4 =	sld [smem:$0x3FC6]  }
0x93: {  	s5 =	sld [smem:$0x3FC5]  }
0x94: {  	s6 =	sld [smem:$0x3FD0];
	(tm) =	ssettm $0x1  }
0x95: {  	s7 =	sld [smem:$0x3FFB];
	_ =	sdelay $0x3  }
0x96: {  	_ =	strace s7  }
0x97: {  	s7 =	sld [smem:$0x3FFC];
	_ =	sdelay $0x3  }
0x98: {  	_ =	strace s7  }
0x99: {  	s7 =	sld [smem:$0x3FFD];
	_ =	sdelay $0x3  }
0x9a: {  	_ =	strace s7  }
0x9b: {  	_ =	strace $0x8FFFFFFF  }
0x9c: {  	s19 =	sld [smem:$0x3FDB];
	_ =	sdelay $0x1  }
0x9d: {  	s8 =	simm.s32 $_scs_section_size  }
0x9e: {  	s9 =	simm.s32 $_size__tile_overlayer_lowered;
	s10 =	simm.s32 $_tile_overlayer_lowered  }
0x9f: {  	s22 =	simm.s32 $0x1BFF;
	s21 =	sshll.u32 s10, $0x1;
	s7 =	sadd.s32 s8, s19  }
0xa0: {  	s11 =	simm.s32 $0x0;
	s20 =	sshll.u32 s9, $0x1;
	s9 =	sadd.s32 s21, s7  }
0xa1: {  	[timem:s11], [sflag:s22] =	dma.local [hbm:s9], s20  }
0xa2: {  	_ =	swait.ge [sflag:s22], s20  }
0xa3: {  	s8 =	ssub.s32 $0x0, s20;
	[sflag:s22] =	ssyncset.done $0x0  }
0xa4: {  	[sflag:s22] =	ssyncadd.s32 s8;
	_ =	sdelay $0x1  }
0xa5: {  	s23 =	simm.s32 $0x1B8B  }
0xa6: {  	_ =	swait.ge [sflag:s23], $0x1  }
0xa7: {  	[sflag:s23] =	ssyncset.done $0x0  }
0xa8: {  	s25 =	simm.s32 $0x1B8E;
	s24 =	sld [smem:$0x3FFE];
	[sflag:s23] =	ssyncadd.s32 $0xFFFFFFFF  }
0xa9: {  	s26 =	simm.s32 $execute0_lowered;
	[smem:$0x3FD2] =	sst s25  }
0xaa: {  	s9 =	sshll.u32 s26, $0x1;
	_ =	strace $0x80000046;
	[dreg:$0x1] =	wrdreg $0xFFFFFFFF  }
0xab: {  	s28 =	simm.s32 $_size_execute0_lowered;
	s7 =	sadd.s32 s7, s9;
	[dreg:$0x0] =	wrdreg $0x0  }
0xac: {  	s9 =	sshll.u32 s28, $0x1;
	[dreg:$0x2] =	wrdreg s7  }
0xad: {  	[dreg:$0x3] =	wrdreg s9  }
0xae: {  	[dreg:$0x4] =	wrdreg $0xC0  }
0xaf: {  	_ =	task [dreg:s11], $0x5FFFF  }
0xb0: {  	[dreg:$0x1] =	wrdreg $0xFFFFFFFF  }
0xb1: {  	[dreg:$0x0] =	wrdreg $0x60  }
0xb2: {  	[dreg:$0x2] =	wrdreg s2  }
0xb3: {  	[dreg:$0x3] =	wrdreg s18  }
0xb4: {  	[dreg:$0x4] =	wrdreg s24  }
0xb5: {  	[dreg:$0x5] =	wrdreg s4  }
0xb6: {  	[dreg:$0x6] =	wrdreg s5  }
0xb7: {  	[dreg:$0x7] =	wrdreg s6  }
0xb8: {  	[dreg:$0x8] =	wrdreg $0x9  }
0xb9: {  	_ =	task.clear_ibuf [dreg:s11], $0x9FFFF;
	_ =	strace $0x90000046  }
0xba: {  	s29 =	simm.s32 $0x9;
	_ =	strace $0x80000048  }
0xbb: {  	_ =	swait.ge [sflag:s29], $0x1  }
0xbc: {  	[sflag:s29] =	ssyncadd.s32 $0xFFFFFFFF  }
0xbd: {  	_ =	strace $0x90000048  }
0xbe: {  	_ =	sfence  }
0xbf: {  	s30 =	sld [smem:$0x0];
	_ =	sdelay $0x2  }
0xc0: {  	s31 =	sshll.u32 s1, $0xD;
	s1 =	sshrl.u32 s1, $0x2  }
0xc1: {  	s3 =	sand.u32 $0x4000, s31;
	s1 =	sadd.s32 s1, s30  }
0xc2: {  	s0 =	sor.u32 s3, s0;
	s1 =	sshll.u32 s1, $0x11  }
0xc3: {  	s0 =	sor.u32 s1, s0  }
0xc4: {  	s0 =	sadd.s32 $0x8F2B, s0  }
0xc5: {  	[sflag:s0] =	ssyncadd.remote.s32 $0x1  }
0xc6: {  	_ =	sfence.sel $0xFFFF  }
0xc7: {  	[dreg:$0x0] =	wrdreg $0xFFFFFFFF;
	(pc) =	sbr.abs _section_cstart, $3  }
0xc8: {  	[dreg:$0x1] =	wrdreg $0xFFFFFFFF  }
0xc9: {  	_ =	task.clear_ibuf [dreg:s11], $0x2FFFF;
	_ =	strace $0x9FFFFFFF  }
0xca: {  	(tm) =	ssettm $0x7FFFFFFF  }
0xcb: {  	_ =	shalt  }
tec
execute0_lowered:
.L_overlay_start_1:
0x0: {  	(tag) =	ssettag $0x1  }
0x1: {  	s2 =	rddreg [dreg:$0x1]  }
0x2: {  	s0 =	rddreg [dreg:$0x2]  }
0x3: {  	s3 =	rddreg [dreg:$0x3]  }
0x4: {  	s4 =	rddreg [dreg:$0x4]  }
0x5: {  	s5 =	rddreg [dreg:$0x5];
	s7 =	simm.s32 $0x0;
	s1 =	srdreg.scid  }
0x6: {  	s12 =	stileid.u32;
	s14 =	simm.s32 $0x3;
	s15 =	simm.s32 $0x410  }
0x7: {  	s16 =	simm.s32 $0x820;
	s17 =	simm.s32 $0x18A0;
	s18 =	simm.s32 $0x1B20  }
0x8: {  	s19 =	simm.s32 $0x80;
	s20 =	simm.s32 $0x1F60;
	s21 =	simm.s32 $0x1FE0  }
0x9: {  	s23 =	simm.s32 $0x2;
	s24 =	simm.s32 $0x0;
	[smem:$0x7FF] =	sst s7  }
0xa: {  	s1 =	sand.u32 $0x1, s1;
	s8 =	smul.u32 $0x5, s12;
	s9 =	sadd.s32 $0xC00, s0  }
0xb: {  	s10 =	sadd.s32 $0x20C00, s0;
	s30 =	sshll.u32 s12, $0x5;
	s13 =	smul.u32 $0x190, s12  }
0xc: {  	_ =	strace $0x80000047;
	s6 =	ssub.s32 $0x2, s1;
	s29 =	smul.u32 $0x1900, s1  }
0xd: {  	s22 =	smul.u32 $0x320, s1;
	s1 =	sshll.u32 s1, $0x9;
	s11 =	sshrl.u32 s6, $0x1  }
0xe: {  	s28 =	ssub.s32 s6, s11;
	s11 =	sor.u32 s30, s1;
	s31 =	sadd.s32 s29, s10  }
0xf: {  	v1 =	vimm.s32 $0x0;
	v0 =	vmov s22;
	s22 =	simm.s32 $0x1;
	s12 =	smax.u32 s28, $0x1;
	s13 =	sadd.s32 s13, s31  }
.LBB2_1:
0x10: {  	s0 =	rddreg [dreg:$0x0]  }
0x11: {  	[tilespmem:s7], [sflag:$0x3] =	stream.linear.gather [hbm4b:s0+s7], $0x400, $0x38;
	[tilespmem:$0x3FE0] =	vst v63  }
0x12: {  	_ =	swait.ge [sflag:s14], $0x400  }
0x13: {  	[sflag:s14] =	ssyncset.done $0x0  }
0x14: {  	[sflag:s14] =	ssyncadd.s32 $0xFFFFFC00  }
0x15: {  	[tilespmem:s15], [sflag:$0x3] =	stream.linear.gather [hbm4b:s2+s7], $0x400, $0x38;
	[tilespmem:$0x3FE0] =	vst v63  }
0x16: {  	_ =	swait.ge [sflag:s14], $0x400  }
0x17: {  	[sflag:s14] =	ssyncset.done $0x0  }
0x18: {  	[sflag:s14] =	ssyncadd.s32 $0xFFFFFC00  }
0x19: {  	[tilespmem:s16], [sflag:$0x3] =	stream.linear.gather [hbm4b:s3+s7], $0x1080, $0x38;
	[tilespmem:$0x3FE0] =	vst v63  }
0x1a: {  	_ =	swait.ge [sflag:s14], $0x1080  }
0x1b: {  	[sflag:s14] =	ssyncset.done $0x0  }
0x1c: {  	[sflag:s14] =	ssyncadd.s32 $0xFFFFEF80  }
0x1d: {  	[tilespmem:s17], [sflag:$0x3] =	stream.linear.gather [hbm4b:s4+s7], $0x280, $0x38;
	[tilespmem:$0x3FE0] =	vst v63  }
0x1e: {  	_ =	swait.ge [sflag:s14], $0x280  }
0x1f: {  	[sflag:s14] =	ssyncset.done $0x0  }
0x20: {  	s1 =	simm.s32 $0x40;
	s0 =	simm.s32 $0x0;
	[sflag:s14] =	ssyncadd.s32 $0xFFFFFD80  }
.LBB2_2:
0x21: {  	p0 =	sne.s32 s1, $0xFC0;
	v2 =	vld [tilespmem:s0+$0x0];
	_ =	sdelay $0x2  }
.Ltmp0:
0x22: {  	(pc) =	sbr.rel @p0 .LBB2_2-.Ltmp0, $4  }
0x23: {  	_ = 	snop  }
0x24: {  	vm0 =	vgt.s32 v2, $0x1F  }
0x25: {  	v2 =	vsel vm0, $0x1, v1  }
0x26: {  	[tilespmem:s0+$0x0] =	vst v2;
	s0 =	sshra.s32 s1, $0x2;
	s1 =	sadd.s32 $0x40, s1  }
0x27: {  	v2 =	vld [tilespmem:s0+$0x0];
	_ =	sdelay $0x4  }
0x28: {  	vm0 =	vgt.s32 v2, $0x1F  }
0x29: {  	v2 =	vsel vm0, $0x1, v1  }
0x2a: {  	s25 =	simm.s32 $0x0;
	s26 =	smov.u32 s13;
	[tilespmem:s0+$0x0] =	vst v2  }
.LBB2_4:
0x2b: {  	s0 =	sadd.s32 s8, s25  }
0x2c: {  	s1 =	simm.s32 $0x18C0;
	s0 =	smin.u32 s0, $0x41  }
0x2d: {  	v3 =	vld [tilespmem:s1+$0xFFFFFFE0];
	s0 =	sshll.u32 s0, $0x6  }
0x2e: {  	v2 =	vld [tilespmem:s0+$0x820];
	_ =	sdelay $0x4  }
0x2f: {  	v2 =	vadd.f32 v3, v2;
	_ =	sdelay $0x1  }
0x30: {  	[tilespmem:$0x1B20] =	vst v2  }
0x31: {  	v2 =	vld [tilespmem:s1+$0xFFFFFFF0]  }
0x32: {  	v3 =	vld [tilespmem:s0+$0x830];
	_ =	sdelay $0x4  }
0x33: {  	v2 =	vadd.f32 v2, v3;
	_ =	sdelay $0x1  }
0x34: {  	[tilespmem:$0x1B30] =	vst v2  }
0x35: {  	v2 =	vld [tilespmem:s0+$0x840]  }
0x36: {  	v3 =	vld [tilespmem:s1+$0x0];
	_ =	sdelay $0x4  }
0x37: {  	v2 =	vadd.f32 v3, v2;
	_ =	sdelay $0x1  }
0x38: {  	[tilespmem:$0x1B40] =	vst v2  }
0x39: {  	v2 =	vld [tilespmem:s0+$0x850]  }
0x3a: {  	v3 =	vld [tilespmem:s1+$0x10];
	_ =	sdelay $0x4  }
0x3b: {  	v2 =	vadd.f32 v3, v2;
	_ =	sdelay $0x1  }
0x3c: {  	s6 =	simm.s32 $0x8;
	s28 =	simm.s32 $0x1900;
	s1 =	sadd.s32 $0x0, s26;
	[tilespmem:$0x1B50] =	vst v2  }
.LBB2_5:
0x3d: {  	[hbm4b:s1+s7] =	stream.linear.scatter [tilespmem:s18], [sflag:$0x3], $0x40, $0x38;
	[tilespmem:$0x3FE0] =	vst v63  }
0x3e: {  	s1 =	smov.u32 s6  }
0x3f: {  	p0 =	sne.s32 s6, $0x48;
	s6 =	sadd.s32 $0x8, s6;
	_ =	swait.ge [sflag:s14], $0x40  }
0x40: {  	[sflag:s14] =	ssyncset.done $0x0  }
0x41: {  	[sflag:s14] =	ssyncadd.s32 $0xFFFFFFC0  }
0x42: {  	v2 =	vld [tilespmem:s0+$0x820]  }
0x43: {  	v3 =	vld [tilespmem:s28+$0xFFFFFFE0];
	_ =	sdelay $0x4  }
0x44: {  	v2 =	vadd.f32 v3, v2;
	_ =	sdelay $0x1  }
0x45: {  	[tilespmem:$0x1B20] =	vst v2  }
0x46: {  	v2 =	vld [tilespmem:s28+$0xFFFFFFF0]  }
0x47: {  	v3 =	vld [tilespmem:s0+$0x830];
	_ =	sdelay $0x4  }
0x48: {  	v2 =	vadd.f32 v2, v3;
	_ =	sdelay $0x1  }
0x49: {  	[tilespmem:$0x1B30] =	vst v2  }
0x4a: {  	v2 =	vld [tilespmem:s0+$0x840]  }
0x4b: {  	v3 =	vld [tilespmem:s28+$0x0];
	_ =	sdelay $0x4  }
0x4c: {  	v2 =	vadd.f32 v3, v2;
	_ =	sdelay $0x1  }
0x4d: {  	[tilespmem:$0x1B40] =	vst v2  }
0x4e: {  	v2 =	vld [tilespmem:s0+$0x850]  }
0x4f: {  	v3 =	vld [tilespmem:s28+$0x10];
	_ =	sdelay $0x2  }
.Ltmp1:
0x50: {  	(pc) =	sbr.rel @p0 .LBB2_5-.Ltmp1, $3  }
0x51: {  	s1 =	sadd.s32 s1, s26  }
0x52: {  	v2 =	vadd.f32 v3, v2;
	_ =	sdelay $0x1  }
0x53: {  	s28 =	sadd.s32 $0x40, s28;
	[tilespmem:$0x1B50] =	vst v2  }
0x54: {  	s25 =	sadd.s32 $0x1, s25  }
0x55: {  	p0 =	sne.s32 s25, $0x5  }
.Ltmp2:
0x56: {  	_ = 	snop;
	(pc) =	sbr.rel @p0 .LBB2_4-.Ltmp2, $4  }
0x57: {  	[hbm4b:s1+s7] =	stream.linear.scatter [tilespmem:s18], [sflag:$0x3], $0x40, $0x38;
	[tilespmem:$0x3FE0] =	vst v63  }
0x58: {  	_ =	swait.ge [sflag:s14], $0x40  }
0x59: {  	[sflag:s14] =	ssyncset.done $0x0  }
0x5a: {  	s26 =	sadd.s32 $0x50, s26;
	[sflag:s14] =	ssyncadd.s32 $0xFFFFFFC0  }
0x5b: {  	[bflag:$0x0] =	sbarrier.arrive $0xFFFF;
	s25 =	simm.s32 $0x0;
	s26 =	simm.s32 $0x0  }
.LBB2_8:
0x5c: {  	s0 =	sadd.s32 s11, s26  }
0x5d: {  	s1 =	sshll.u32 s0, $0x7  }
0x5e: {  	s28 =	simm.s32 $0x1B60;
	s1 =	sadd.s32 s9, s1  }
0x5f: {  	[tilespmem:s28], [sflag:$0x3] =	stream.linear.gather [hbm4b:s1+s25], $0x400, $0x38;
	[tilespmem:$0x3FE0] =	vst v63  }
0x60: {  	_ =	swait.ge [sflag:s14], $0x400  }
0x61: {  	[sflag:s14] =	ssyncset.done $0x0  }
0x62: {  	[sflag:s14] =	ssyncadd.s32 $0xFFFFFC00  }
0x63: {  	s30 =	simm.s32 $0x410;
	s6 =	sshll.u32 s0, $0xD;
	v2 =	vld.msk [tilespmem:s0+$0x410 ss:$0x0], $0xffff  }
0x64: {  	s31 =	simm.s32 $0x0;
	s29 =	sadd.s32 s5, s6;
	v3 =	vld.msk [tilespmem:s0+$0x0 ss:$0x0], $0xffff;
	s0 =	simm.s32 $0x0  }
.LBB2_9:
0x65: {  	v5 =	vmov s30;
	_ =	sdelay $0x2  }
0x66: {  	v6 =	vmov s28  }
0x67: {  	v4 =	vmov s31;
	s6 =	simm.s32 $0x0;
	s1 =	simm.s32 $0x40  }
.LBB2_10:
0x68: {  	p0 =	sne.s32 s1, $0x1C0;
	v7 =	vld.idx.msk [tilespmem:v5+s6+$0x0 ss:$0x1], $0xffff;
	_ =	sdelay $0x2  }
0x69: {  	v8 =	vld.idx.msk [tilespmem:v6+s6+$0x0 ss:$0x1], $0xffff  }
0x6a: {  	v9 =	vld.idx.msk [tilespmem:v4+s6+$0x0 ss:$0x1], $0xffff;
	_ =	sdelay $0x1  }
0x6b: {  	v7 =	vsub.s32 v7, v2  }
0x6c: {  	vm0 =	vgt.s32 v7, $0xFFFFFFE0  }
0x6d: {  	v7 =	vnsel vm0, $0xFFFFFFE0, v7  }
0x6e: {  	vm0 =	vlt.s32 v7, $0x21  }
0x6f: {  	v8 =	vmax.f32 v8, $0.0e+00;
	v7 =	vnsel vm0, $0x21, v7;
	v9 =	vadd.s32 v3, v9  }
0x70: {  	v8 =	vmin.f32 v8, $9.000000000e+00;
	vm0 =	veq.s32 v9, $0x2;
	v7 =	vmul.u32 $0xA, v7  }
0x71: {  	v8 =	vnsel vm0, $0x41100000, v8  }
0x72: {  	vm0 =	vgt.s32 v9, $0x0;
	v9 =	vtrunc.f32 v8;
	v7 =	vadd.s32 $0x140, v7  }
.Ltmp3:
0x73: {  	v10 =	vcvt.f32.s32 v9;
	v7 =	vsel vm0, $0x28A, v7;
	(pc) =	sbr.rel @p0 .LBB2_10-.Ltmp3, $4  }
0x74: {  	vm0 =	vgt.f32 v8, v9;
	v7 =	vadd.s32 v0, v7  }
0x75: {  	v8 =	vsel vm0, $0x1, v1;
	v7 =	vadd.s32 v10, v7  }
0x76: {  	v7 =	vadd.s32 v8, v7  }
0x77: {  	[tilespmem:s6+$0x1F60] =	vst v7;
	s6 =	sshra.s32 s1, $0x2;
	s1 =	sadd.s32 $0x40, s1  }
0x78: {  	_ =	sdelay $0x3  }
0x79: {  	v5 =	vld.idx.msk [tilespmem:v5+s6+$0x0 ss:$0x1], $0xffff;
	_ =	sdelay $0x2  }
0x7a: {  	v6 =	vld.idx.msk [tilespmem:v6+s6+$0x0 ss:$0x1], $0xffff  }
0x7b: {  	v4 =	vld.idx.msk [tilespmem:v4+s6+$0x0 ss:$0x1], $0xffff  }
0x7c: {  	v5 =	vsub.s32 v5, v2  }
0x7d: {  	vm0 =	vgt.s32 v5, $0xFFFFFFE0  }
0x7e: {  	v5 =	vnsel vm0, $0xFFFFFFE0, v5  }
0x7f: {  	vm0 =	vlt.s32 v5, $0x21  }
0x80: {  	v4 =	vadd.s32 v3, v4;
	v6 =	vmax.f32 v6, $0.0e+00;
	v5 =	vnsel vm0, $0x21, v5  }
0x81: {  	v6 =	vmin.f32 v6, $9.000000000e+00;
	vm13 =	veq.s32 v4, $0x2;
	v5 =	vmul.u32 $0xA, v5  }
0x82: {  	v6 =	vnsel vm13, $0x41100000, v6  }
0x83: {  	vm14 =	vgt.s32 v4, $0x0;
	v4 =	vtrunc.f32 v6;
	v5 =	vadd.s32 $0x140, v5  }
0x84: {  	v7 =	vcvt.f32.s32 v4;
	v5 =	vsel vm14, $0x28A, v5  }
0x85: {  	vm15 =	vgt.f32 v6, v4;
	v4 =	vadd.s32 v0, v5  }
0x86: {  	v5 =	vsel vm15, $0x1, v1;
	v4 =	vadd.s32 v7, v4  }
0x87: {  	v4 =	vadd.s32 v5, v4  }
0x88: {  	[tilespmem:s6+$0x1F60] =	vst v4  }
0x89: {  	[tilespmem:s21], [sflag:$0x1] =	stream.indirect.gather [hbm4b:s10+s19], $0x40, s20, s19, $0xb8;
	[tilespmem:$0x3FE0] =	vst v63  }
0x8a: {  	s1 =	sshll.u32 s0, $0xA;
	s0 =	sadd.s32 $0x1, s0;
	_ =	swait.ge [sflag:s22], $0x2000  }
0x8b: {  	p0 =	sne.s32 s0, $0x8;
	[sflag:s22] =	ssyncset.done $0x0  }
.Ltmp4:
0x8c: {  	s1 =	sadd.s32 s1, s29;
	[sflag:s22] =	ssyncadd.s32 $0xFFFFE000;
	(pc) =	sbr.rel @p0 .LBB2_9-.Ltmp4, $4  }
0x8d: {  	[hbm4b:s1+s7] =	stream.linear.scatter [tilespmem:s21], [sflag:$0x2], $0x2000, $0x38;
	[tilespmem:$0x3FE0] =	vst v63  }
0x8e: {  	_ =	swait.ge [sflag:s23], $0x2000  }
0x8f: {  	s30 =	sadd.s32 $0x80, s30;
	[sflag:s23] =	ssyncset.done $0x0  }
0x90: {  	s31 =	sadd.s32 $0x80, s31;
	s28 =	sadd.s32 $0x80, s28;
	[sflag:s23] =	ssyncadd.s32 $0xFFFFE000  }
0x91: {  	s26 =	sadd.s32 $0x1, s26  }
0x92: {  	p0 =	sne.s32 s26, $0x20  }
.Ltmp5:
0x93: {  	_ = 	snop;
	(pc) =	sbr.rel @p0 .LBB2_8-.Ltmp5, $1  }
0x94: {  	_ =	sdelay $0x3  }
0x95: {  	s24 =	sadd.s32 $0x1, s24  }
0x96: {  	p0 =	sne.s32 s24, s12  }
.Ltmp6:
0x97: {  	_ = 	snop;
	(pc) =	sbr.rel @p0 .LBB2_1-.Ltmp6, $1  }
0x98: {  	_ =	sdelay $0x3  }
0x99: {  	_ =	sfence.sel $0x180000  }
0x9a: {  	[bflag:$0x0] =	sbarrier.arrive $0xFFFF  }
0x9b: {  	_ =	strace $0x90000047  }
0x9c: {  	s0 =	stileid.u32;
	[bflag:$0x2] =	sbarrier.arrive $0xFFFF  }
0x9d: {  	p0 =	sne.s32 s0, $0x0;
	s0 =	rddreg [dreg:$0x6]  }
0x9e: {  	s0 =	sadd.s32 @!p0 $0x100000, s0  }
0x9f: {  	[sflag:s0] =	ssyncadd.tile.s32 @!p0 $0x1;
	_ =	shalt  }
.Lfunc_end2:
_tile_overlayer_lowered:
.L_overlay_start_2:
0xa0: {  	(tag) =	ssettag $0x2  }
0xa1: {  	s0 =	rddreg [dreg:$0x0];
	s2 =	stileid.u32  }
0xa2: {  	s1 =	rddreg [dreg:$0x1];
	p0 =	sne.s32 s2, $0x0  }
0xa3: {  	s3 =	rddreg [dreg:$0x2];
	[bflag:$0x3] =	sbarrier.arrive $0xFFFF;
	s2 =	simm.s32 @!p0 $0x1C03  }
0xa4: {  	[timem:s3], [sflag:s2] =	dma.local @!p0 [hbm:s0], s1  }
0xa5: {  	s0 =	simm.s32 @!p0 $0x3  }
0xa6: {  	_ =	swait.ge @!p0 [sflag:s0], s1  }
0xa7: {  	s1 =	ssub.s32 @!p0 $0x0, s1;
	[sflag:s0] =	ssyncset.done @!p0 $0x0  }
0xa8: {  	[sflag:s0] =	ssyncadd.s32 @!p0 s1  }
0xa9: {  	[bflag:$0x3] =	sbarrier.arrive $0xFFFF  }
0xaa: {  	_ =	shalt  }

// kernel: sparse-core-data-format-call.cloned.1.call-start
scs
called_computation_lowered:
.L_overlay_start_0:
0x0: {  	s2 =	sld [smem:$0x3FD9]  }
0x1: {  	s3 =	sld [smem:$0x3FFE];
	_ =	sdelay $0x1  }
0x2: {  	s1 =	srdreg.scid  }
0x3: {  	s0 =	sand.u32 $0x1, s1  }
0x4: {  	s18 =	sshll.u32 s0, $0xA;
	s2 =	sadd.s32 s3, s2  }
0x5: {  	s2 =	sadd.s32 s2, s18  }
0x6: {  	[smem:$0x3FC3] =	sst s2  }
0x7: {  	_ = 	snop  }
0x8: {  	s2 =	sld [smem:$0x3FD0];
	(tm) =	ssettm $0x1  }
0x9: {  	s19 =	sld [smem:$0x3FFB];
	_ =	sdelay $0x3  }
0xa: {  	_ =	strace s19  }
0xb: {  	s3 =	sld [smem:$0x3FFC];
	_ =	sdelay $0x3  }
0xc: {  	_ =	strace s3  }
0xd: {  	s3 =	sld [smem:$0x3FFD];
	_ =	sdelay $0x3  }
0xe: {  	_ =	strace s3  }
0xf: {  	_ =	strace $0x8FFFFFFF  }
0x10: {  	s20 =	sld [smem:$0x3FDB];
	_ =	sdelay $0x1  }
0x11: {  	s4 =	simm.s32 $_scs_section_size  }
0x12: {  	s5 =	simm.s32 $_size__tile_overlayer_lowered;
	s6 =	simm.s32 $_tile_overlayer_lowered  }
0x13: {  	s23 =	simm.s32 $0x1BFF;
	s22 =	sshll.u32 s6, $0x1;
	s3 =	sadd.s32 s4, s20  }
0x14: {  	s7 =	simm.s32 $0x0;
	s21 =	sshll.u32 s5, $0x1;
	s5 =	sadd.s32 s22, s3  }
0x15: {  	[timem:s7], [sflag:s23] =	dma.local [hbm:s5], s21  }
0x16: {  	_ =	swait.ge [sflag:s23], s21  }
0x17: {  	s4 =	ssub.s32 $0x0, s21;
	[sflag:s23] =	ssyncset.done $0x0  }
0x18: {  	[sflag:s23] =	ssyncadd.s32 s4;
	_ =	sdelay $0x1  }
0x19: {  	s24 =	simm.s32 $0x1B8B  }
0x1a: {  	_ =	swait.ge [sflag:s24], $0x1  }
0x1b: {  	[sflag:s24] =	ssyncset.done $0x0  }
0x1c: {  	s26 =	simm.s32 $0x1B8E;
	s25 =	sld [smem:$0x3FFE];
	[sflag:s24] =	ssyncadd.s32 $0xFFFFFFFF  }
0x1d: {  	s27 =	simm.s32 $execute0_lowered;
	[smem:$0x3FD2] =	sst s26  }
0x1e: {  	s5 =	sshll.u32 s27, $0x1;
	_ =	strace $0x80000049;
	[dreg:$0x1] =	wrdreg $0xFFFFFFFF  }
0x1f: {  	s28 =	simm.s32 $_size_execute0_lowered;
	s3 =	sadd.s32 s3, s5;
	[dreg:$0x0] =	wrdreg $0x0  }
0x20: {  	s5 =	sshll.u32 s28, $0x1;
	[dreg:$0x2] =	wrdreg s3  }
0x21: {  	[dreg:$0x3] =	wrdreg s5  }
0x22: {  	[dreg:$0x4] =	wrdreg $0xC0  }
0x23: {  	_ =	task [dreg:s7], $0x5FFFF  }
0x24: {  	[dreg:$0x1] =	wrdreg $0xFFFFFFFF  }
0x25: {  	[dreg:$0x0] =	wrdreg $0x60  }
0x26: {  	[dreg:$0x2] =	wrdreg s25  }
0x27: {  	[dreg:$0x3] =	wrdreg s2  }
0x28: {  	[dreg:$0x4] =	wrdreg $0x9  }
0x29: {  	_ =	task.clear_ibuf [dreg:s7], $0x5FFFF;
	_ =	strace $0x90000049  }
0x2a: {  	s29 =	simm.s32 $0x9;
	_ =	strace $0x8000004B  }
0x2b: {  	_ =	swait.ge [sflag:s29], $0x1  }
0x2c: {  	[sflag:s29] =	ssyncadd.s32 $0xFFFFFFFF  }
0x2d: {  	_ =	strace $0x9000004B  }
0x2e: {  	_ =	sfence  }
0x2f: {  	s30 =	sld [smem:$0x0];
	_ =	sdelay $0x2  }
0x30: {  	s31 =	sshll.u32 s1, $0xD;
	s1 =	sshrl.u32 s1, $0x2  }
0x31: {  	s3 =	sand.u32 $0x4000, s31;
	s1 =	sadd.s32 s1, s30  }
0x32: {  	s0 =	sor.u32 s3, s0;
	s1 =	sshll.u32 s1, $0x11  }
0x33: {  	s0 =	sor.u32 s1, s0  }
0x34: {  	s0 =	sadd.s32 $0x8F2B, s0  }
0x35: {  	[sflag:s0] =	ssyncadd.remote.s32 $0x1  }
0x36: {  	_ =	sfence.sel $0xFFFF  }
0x37: {  	[dreg:$0x0] =	wrdreg $0xFFFFFFFF;
	(pc) =	sbr.abs _section_cstart, $3  }
0x38: {  	[dreg:$0x1] =	wrdreg $0xFFFFFFFF  }
0x39: {  	_ =	task.clear_ibuf [dreg:s7], $0x2FFFF;
	_ =	strace $0x9FFFFFFF  }
0x3a: {  	(tm) =	ssettm $0x7FFFFFFF  }
0x3b: {  	_ =	shalt  }
tec
execute0_lowered:
.L_overlay_start_1:
0x0: {  	(tag) =	ssettag $0x1  }
0x1: {  	s0 =	srdreg.scid  }
0x2: {  	s1 =	sshll.u32 s0, $0x4  }
0x3: {  	s4 =	rddreg [dreg:$0x0];
	s0 =	stileid.u32;
	s1 =	sand.u32 $0x10, s1  }
0x4: {  	s2 =	rddreg [dreg:$0x1];
	s7 =	simm.s32 $0x1;
	s1 =	sor.u32 s0, s1  }
0x5: {  	s8 =	simm.s32 $0x2;
	s11 =	simm.s32 $0x0;
	s3 =	sshll.u32 s1, $0x7  }
0x6: {  	s10 =	simm.s32 $0x0;
	s4 =	sadd.s32 $0xC00, s4;
	s6 =	ssub.s32 $0x100000, s3  }
.Ltmp0:
0x7: {  	s1 =	rddreg [dreg:$0x2];
	s5 =	sand.u32 $0xF80, s6;
	(pc) =	sbr.rel .LBB1_1-.Ltmp0, $4  }
0x8: {  	_ =	strace $0x8000004A;
	s9 =	smov.u32 s3;
	p0 =	sne.s32 s5, $0x0  }
0x9: {  	s6 =	sshrl.u32 s6, $0xC;
	s5 =	simm.s32 $0x1;
	s7 =	simm.s32 @!p0 $0x0  }
0xa: {  	[sflag:s5] =	ssyncpa.u1 $0x0;
	p0 =	por $0x0, $0x0;
	s6 =	sadd.s32 s7, s6  }
0xb: {  	[sflag:s8] =	ssyncpa.u1 $0x0;
	s8 =	simm.s32 $0x800000;
	s7 =	sadd.s32 $0x1, s6  }
.LBB1_4:
0xc: {  	s14 =	sshll.u32 s11, $0x3  }
0xd: {  	s15 =	sand.u32 $0x78, s11;
	s14 =	sand.u32 $0xFFC00, s14  }
0xe: {  	[tilespmem:s13+$0x810 ss:$0x81] =	vst.msk $0xffff, v2;
	s29 =	sand.u32 $0x7E0000, s11;
	s30 =	sand.u32 $0x7, s11;
	s14 =	sor.u32 s15, s14  }
0xf: {  	[tilespmem:s13+$0x1020 ss:$0x81] =	vst.msk $0xffff, v0;
	s11 =	sshll.u32 s30, $0x12;
	s15 =	sadd.s32 s2, s29;
	s14 =	sshrl.u32 s14, $0x3  }
0x10: {  	[tilespmem:s13+$0x0 ss:$0x81] =	vst.msk $0xffff, v1;
	s11 =	sor.u32 $0x400, s11;
	s31 =	sadd.s32 s14, s15  }
0x11: {  	[hbm4b:s31+s11] =	stream.strided.scatter [tilespmem:s12], [sflag:$0x2], $0x2000, s8, s11, $0x20;
	[tilespmem:$0x8080] =	vst v63  }
.LBB1_5:
0x12: {  	s13 =	sadd.s32 $0x1000, s9  }
0x13: {  	p2 =	sgt.s32 s13, $0xFFFFF  }
0x14: {  	s13 =	smov.u32 @p2 s3;
	p2 =	sne.s32 s10, s7  }
.Ltmp1:
0x15: {  	p1 =	slt.u32 s10, $0x2;
	(pc) =	sbr.rel @!p2 .LBB1_6-.Ltmp1, $4  }
0x16: {  	s12 =	simm.s32 @!p1 $0x2  }
0x17: {  	s14 =	sadd.s32 $0x1, s10;
	_ =	swait.ge @!p1 [sflag:s12], $0x2000  }
0x18: {  	s11 =	smov.u32 s9;
	p0 =	por !p0, !p0;
	[sflag:s12] =	ssyncset.done @!p1 $0x0  }
0x19: {  	s10 =	smov.u32 s14;
	s9 =	smov.u32 s13;
	[sflag:s12] =	ssyncadd.s32 @!p1 $0xFFFFE000  }
.LBB1_1:
0x1a: {  	p1 =	sge.u32 s10, s6  }
0x1b: {  	s31 =	sadd.s32 $0xFFFFFFFF, s10;
	s12 =	sxor.u32 @!p1 $0xFFFFFFFF, s10;
	s13 =	sshll.u32 @!p1 s9, $0x4  }
0x1c: {  	s14 =	simm.s32 @!p1 $0x40;
	s12 =	sshll.u32 @!p1 s12, $0xD;
	s13 =	sand.u32 @!p1 $0xFFFFF0, s13  }
0x1d: {  	s15 =	simm.s32 @!p1 $0x80;
	s12 =	sand.u32 @!p1 $0x2000, s12;
	s13 =	sadd.s32 @!p1 s4, s13  }
0x1e: {  	[tilespmem:s12], [sflag:$0x1] =	stream.strided.gather @!p1 [hbm4b:s13+s14], $0x2000, s15, s14, $0x38;
	[tilespmem:$0x8080] =	vst v63  }
0x1f: {  	p1 =	sge.u32 s31, s6  }
.Ltmp2:
0x20: {  	_ = 	snop;
	(pc) =	sbr.rel @p1 .LBB1_5-.Ltmp2, $1  }
0x21: {  	_ =	sdelay $0x3  }
0x22: {  	s12 =	simm.s32 $0x1  }
0x23: {  	_ =	swait.ge [sflag:s5], $0x2000;
	s12 =	simm.s32 @!p0 $0x0  }
0x24: {  	[sflag:s5] =	ssyncset.done $0x0;
	s13 =	sshll.u32 s12, $0xD  }
0x25: {  	[sflag:s5] =	ssyncadd.s32 $0xFFFFE000;
	s16 =	sor.u32 $0x20, s13  }
0x26: {  	s12 =	smul.u32 $0x8100, s12;
	v3 =	vld [tilespmem:s16+$0x10]  }
0x27: {  	s30 =	sand.u32 $0x1, s10;
	v2 =	vld [tilespmem:s16+$0xFFFFFFF0]  }
0x28: {  	s13 =	smul.u32 $0x8100, s30;
	s12 =	sshrl.u32 s12, $0x2;
	v0 =	vld [tilespmem:s16+$0x0]  }
0x29: {  	v1 =	vld [tilespmem:s16+$0xFFFFFFE0];
	s14 =	sor.u32 $0x4000, s12  }
0x2a: {  	s31 =	sshrl.u32 s13, $0x2;
	s13 =	sadd.s32 $0x0, s14  }
0x2b: {  	s15 =	simm.s32 $0x4;
	s16 =	sadd.s32 $0x40, s16;
	s12 =	sor.u32 $0x4000, s31;
	[tilespmem:s13+$0x1830 ss:$0x81] =	vst.msk $0xffff, v3  }
.LBB1_3:
0x2c: {  	v3 =	vld [tilespmem:s16+$0x10];
	p1 =	sne.s32 s15, $0x1FC;
	[tilespmem:s13+$0x810 ss:$0x81] =	vst.msk $0xffff, v2;
	s17 =	smov.u32 s15;
	s15 =	sadd.s32 $0x4, s15  }
.Ltmp3:
0x2d: {  	v2 =	vld [tilespmem:s16+$0xFFFFFFF0];
	[tilespmem:s13+$0x1020 ss:$0x81] =	vst.msk $0xffff, v0;
	(pc) =	sbr.rel @p1 .LBB1_3-.Ltmp3, $4  }
0x2e: {  	v0 =	vld [tilespmem:s16+$0x0];
	[tilespmem:s13+$0x0 ss:$0x81] =	vst.msk $0xffff, v1  }
0x2f: {  	s13 =	sshra.s32 s17, $0x2;
	v1 =	vld [tilespmem:s16+$0xFFFFFFE0]  }
0x30: {  	s13 =	sadd.s32 s13, s14  }
0x31: {  	s16 =	sadd.s32 $0x40, s16;
	[tilespmem:s13+$0x1830 ss:$0x81] =	vst.msk $0xffff, v3  }
.Ltmp4:
0x32: {  	_ = 	snop;
	(pc) =	sbr.rel .LBB1_4-.Ltmp4, $1  }
0x33: {  	_ =	sdelay $0x3  }
.LBB1_6:
0x34: {  	_ =	sfence.sel $0x180000  }
0x35: {  	s2 =	simm.s32 $0x1;
	[bflag:$0x0] =	sbarrier.arrive $0xFFFF  }
0x36: {  	s31 =	simm.s32 $0x2;
	[sflag:s2] =	ssyncpa.u1 $0x1  }
0x37: {  	[sflag:s31] =	ssyncpa.u1 $0x1  }
0x38: {  	p0 =	sne.s32 s0, $0x0;
	_ =	strace $0x9000004A  }
0x39: {  	s0 =	sadd.s32 @!p0 $0x100000, s1;
	[bflag:$0x2] =	sbarrier.arrive $0xFFFF  }
0x3a: {  	[sflag:s0] =	ssyncadd.tile.s32 @!p0 $0x1;
	_ =	shalt  }
.Lfunc_end1:
_tile_overlayer_lowered:
.L_overlay_start_2:
0x3b: {  	(tag) =	ssettag $0x2  }
0x3c: {  	s0 =	rddreg [dreg:$0x0];
	s2 =	stileid.u32  }
0x3d: {  	s1 =	rddreg [dreg:$0x1];
	p0 =	sne.s32 s2, $0x0  }
0x3e: {  	s3 =	rddreg [dreg:$0x2];
	[bflag:$0x3] =	sbarrier.arrive $0xFFFF;
	s2 =	simm.s32 @!p0 $0x1C01  }
0x3f: {  	[timem:s3], [sflag:s2] =	dma.local @!p0 [hbm:s0], s1  }
0x40: {  	s0 =	simm.s32 @!p0 $0x1  }
0x41: {  	_ =	swait.ge @!p0 [sflag:s0], s1  }
0x42: {  	s1 =	ssub.s32 @!p0 $0x0, s1;
	[sflag:s0] =	ssyncset.done @!p0 $0x0  }
0x43: {  	[sflag:s0] =	ssyncadd.s32 @!p0 s1  }
0x44: {  	[bflag:$0x3] =	sbarrier.arrive $0xFFFF  }
0x45: {  	_ =	shalt  }

</sc_bundles>
